<compile_context>
chip_gen: v7x
topology: tpu7x:2x2x1
jax: 0.10.2.dev20260603
libtpu: 0.0.44.dev20260713+nightly
codegen_flags: <defaults>
</compile_context>

<pallas_src>
import functools

import jax
import jax.numpy as jnp
from jax import lax
from jax.experimental import pallas as pl
from jax.experimental.pallas import tpu as pltpu
from jax.experimental.pallas import tpu_sc as plsc

DIM = 128
BATCH = 16384
LANES = 128
NUM_CORES = 2
NUM_SUBCORES = 16
NW = NUM_CORES * NUM_SUBCORES
B_PER_W = BATCH // NW
CHUNKS = B_PER_W // LANES

_mesh = plsc.VectorSubcoreMesh(core_axis_name="c", subcore_axis_name="s")

NBUF = 4
TOT_CHUNKS = 2 * CHUNKS


@functools.partial(
    pl.kernel,
    mesh=_mesh,
    out_type=[
        jax.ShapeDtypeStruct((BATCH, DIM), jnp.float32),
        jax.ShapeDtypeStruct((BATCH, DIM), jnp.float32),
    ],
    scratch_types=[
        pltpu.VMEM((TOT_CHUNKS, LANES), jnp.int32),
        *[pltpu.VMEM((LANES, DIM), jnp.float32) for _ in range(NBUF)],
        *[pltpu.SemaphoreType.DMA for _ in range(2 * NBUF + 2)],
    ],
)
def _sc_gather(doc_idx, neg_idx, table, dc_out, nc_out, idx_v, *scratch):
    bufs = scratch[:NBUF]
    sem_g = scratch[NBUF:2 * NBUF]
    sem_o = scratch[2 * NBUF:3 * NBUF]
    sem_id, sem_in = scratch[-2], scratch[-1]
    wid = lax.axis_index("s") * NUM_CORES + lax.axis_index("c")
    base_row = wid * CHUNKS
    base_out = wid * B_PER_W
    idx_cp = [
        pltpu.async_copy(
            doc_idx.at[pl.ds(base_row, CHUNKS)], idx_v.at[pl.ds(0, CHUNKS)], sem_id
        ),
        pltpu.async_copy(
            neg_idx.at[pl.ds(base_row, CHUNKS)], idx_v.at[pl.ds(CHUNKS, CHUNKS)], sem_in
        ),
    ]
    dests = [(dc_out, base_out + j * LANES) for j in range(CHUNKS)] + [
        (nc_out, base_out + j * LANES) for j in range(CHUNKS)
    ]
    gathers = [None] * TOT_CHUNKS
    outs = [None] * TOT_CHUNKS
    for i in range(TOT_CHUNKS):
        b = i % NBUF
        if i == 0:
            idx_cp[0].wait()
        if i == CHUNKS:
            idx_cp[1].wait()
        if i >= NBUF:
            outs[i - NBUF].wait()
        gathers[i] = pltpu.async_copy(table.at[idx_v.at[i]], bufs[b], sem_g[b])
        if i >= 1:
            p, pb = i - 1, (i - 1) % NBUF
            gathers[p].wait()
            out_hbm, off = dests[p]
            outs[p] = pltpu.async_copy(bufs[pb], out_hbm.at[pl.ds(off, LANES)], sem_o[pb])
    last = TOT_CHUNKS - 1
    gathers[last].wait()
    out_hbm, off = dests[last]
    outs[last] = pltpu.async_copy(bufs[last % NBUF], out_hbm.at[pl.ds(off, LANES)], sem_o[last % NBUF])
    for p in range(TOT_CHUNKS - NBUF, TOT_CHUNKS):
        outs[p].wait()


def kernel(doc_center_ids, neg_center_ids, center_vecs):
    doc2 = doc_center_ids.reshape(BATCH // LANES, LANES)
    neg2 = neg_center_ids.reshape(BATCH // LANES, LANES)
    dc_emb, nc_emb = _sc_gather(doc2, neg2, center_vecs)
    return dc_emb, nc_emb

# --- scband reference (transcript-rebuilt; emitter-appended) ---
"""Pipeline reference for scband-ivf-cpu-12335146074675 (READ-ONLY COPY).

The authoritative reference and input builder live on the scoring server;
editing this copy changes nothing except your own understanding.
"""

import jax, jax.numpy as jnp
import numpy as np

NUM_CENTERS = 100000
DIM = 128
BATCH = 16384


def setup_inputs(seed: int = 0) -> dict:
    key = jax.random.key(seed)
    k1, k2, k3 = jax.random.split(key, 3)
    center_vecs = jax.random.normal(k1, (NUM_CENTERS, DIM), dtype=jnp.float32)
    doc_center_ids = jax.random.randint(k2, (BATCH,), 0, NUM_CENTERS, dtype=jnp.int32)
    neg_center_ids = jax.random.randint(k3, (BATCH,), 0, NUM_CENTERS, dtype=jnp.int32)
    return {
        "doc_center_ids": doc_center_ids,
        "neg_center_ids": neg_center_ids,
        "center_vecs": center_vecs,
    }


def reference(doc_center_ids, neg_center_ids, center_vecs):
    # merge_and_dispatch (world_size=1): map doc/neg ids to their IVF center ids
    # (here the inputs are already center ids), dedup + sort the union, and
    # remap each id to its position in the deduped batch list.
    all_ids = jnp.concatenate([doc_center_ids, neg_center_ids], axis=0)
    batch_cids = jnp.unique(
        all_ids, size=all_ids.shape[0], fill_value=NUM_CENTERS
    )  # sorted unique center ids for this batch
    batch_dc_ids = jnp.searchsorted(batch_cids, doc_center_ids)
    batch_nc_ids = jnp.searchsorted(batch_cids, neg_center_ids)
    # get_batch_centers: gather the batch-local center table
    batch_center_vecs = jnp.take(center_vecs, batch_cids, axis=0, mode="clip")
    # select_centers: index_select into the batch-local table
    dc_emb = jnp.take(batch_center_vecs, batch_dc_ids, axis=0)
    nc_emb = jnp.take(batch_center_vecs, batch_nc_ids, axis=0)
    return dc_emb, nc_emb

if __name__ == "__main__":
    import jax
    _d = setup_inputs()
    print(jax.jit(kernel)(*tuple(_d.values())))

</pallas_src>

<mosaic_0001>
#map = affine_map<(d0, d1) -> (0, 0)>
module attributes {stable_mosaic.version = 14 : i64} {
  func.func @_sc_gather(%arg0: i32, %arg1: i32, %arg2: memref<128x128xi32, #tpu.memory_space<hbm>>, %arg3: memref<128x128xi32, #tpu.memory_space<hbm>>, %arg4: memref<100000x128xf32, #tpu.memory_space<hbm>>, %arg5: memref<16384x128xf32, #tpu.memory_space<hbm>>, %arg6: memref<16384x128xf32, #tpu.memory_space<hbm>>, %arg7: memref<8x128xi32, #tpu.memory_space<vmem>>, %arg8: memref<128x128xf32, #tpu.memory_space<vmem>>, %arg9: memref<128x128xf32, #tpu.memory_space<vmem>>, %arg10: memref<128x128xf32, #tpu.memory_space<vmem>>, %arg11: memref<128x128xf32, #tpu.memory_space<vmem>>, %arg12: memref<!tpu.dma_semaphore, #tpu.memory_space<semaphore_mem>>, %arg13: memref<!tpu.dma_semaphore, #tpu.memory_space<semaphore_mem>>, %arg14: memref<!tpu.dma_semaphore, #tpu.memory_space<semaphore_mem>>, %arg15: memref<!tpu.dma_semaphore, #tpu.memory_space<semaphore_mem>>, %arg16: memref<!tpu.dma_semaphore, #tpu.memory_space<semaphore_mem>>, %arg17: memref<!tpu.dma_semaphore, #tpu.memory_space<semaphore_mem>>, %arg18: memref<!tpu.dma_semaphore, #tpu.memory_space<semaphore_mem>>, %arg19: memref<!tpu.dma_semaphore, #tpu.memory_space<semaphore_mem>>, %arg20: memref<!tpu.dma_semaphore, #tpu.memory_space<semaphore_mem>>, %arg21: memref<!tpu.dma_semaphore, #tpu.memory_space<semaphore_mem>>) attributes {dimension_semantics = [#tpu.dimension_semantics<core_parallel>, #tpu.dimension_semantics<subcore_parallel>], iteration_bounds = array<i64: 2, 16>, scalar_prefetch = 0 : i64, scratch_operands = 15 : i64, tpu.core_type = #tpu.core_type<sc_vector_subcore>, window_params = [{transform_indices = #map}, {transform_indices = #map}, {transform_indices = #map}, {transform_indices = #map}, {transform_indices = #map}]} {
    %mul3A = arith.constant 2 : i32
    %mul3A_0 = arith.muli %arg1, %mul3A : i32
    %add3A = arith.addi %mul3A_0, %arg0 : i32
    %mul3A_1 = arith.constant 4 : i32
    %mul3A_2 = arith.muli %add3A, %mul3A_1 : i32
    %mul3A_3 = arith.constant 512 : i32
    %mul3A_4 = arith.muli %add3A, %mul3A_3 : i32
    %dma_start3A = arith.constant 0 : i32
    %dma_start3A_5 = arith.constant 0 : i32
    %dma_start3A_6 = tpu.memref_slice %arg7[%dma_start3A, %dma_start3A_5] : memref<8x128xi32, #tpu.memory_space<vmem>> -> memref<4x128xi32, #tpu.memory_space<vmem>>
    %dma_start3A_7 = arith.constant 0 : i32
    %dma_start3A_8 = tpu.memref_slice %arg2[%mul3A_2, %dma_start3A_7] : memref<128x128xi32, #tpu.memory_space<hbm>> -> memref<4x128xi32, #tpu.memory_space<hbm>>
    %dma_start3A_9 = arith.constant 0 : i32
    %dma_start3A_10 = arith.constant 0 : i32
    %dma_start3A_11 = tpu.memref_slice %arg7[%dma_start3A_9, %dma_start3A_10] : memref<8x128xi32, #tpu.memory_space<vmem>> -> memref<4x128xi32, #tpu.memory_space<vmem>>
    %dma_start3A_12 = arith.constant 0 : i32
    %dma_start3A_13 = tpu.memref_slice %arg2[%mul3A_2, %dma_start3A_12] : memref<128x128xi32, #tpu.memory_space<hbm>> -> memref<4x128xi32, #tpu.memory_space<hbm>>
    tpu.enqueue_dma source(%dma_start3A_13 : memref<4x128xi32, #tpu.memory_space<hbm>>) target(%dma_start3A_11 : memref<4x128xi32, #tpu.memory_space<vmem>>) target_semaphore(%arg20 : memref<!tpu.dma_semaphore, #tpu.memory_space<semaphore_mem>>)
    %dma_start3A_14 = arith.constant 4 : i32
    %dma_start3A_15 = arith.constant 0 : i32
    %dma_start3A_16 = tpu.memref_slice %arg7[%dma_start3A_14, %dma_start3A_15] : memref<8x128xi32, #tpu.memory_space<vmem>> -> memref<4x128xi32, #tpu.memory_space<vmem>>
    %dma_start3A_17 = arith.constant 0 : i32
    %dma_start3A_18 = tpu.memref_slice %arg3[%mul3A_2, %dma_start3A_17] : memref<128x128xi32, #tpu.memory_space<hbm>> -> memref<4x128xi32, #tpu.memory_space<hbm>>
    %dma_start3A_19 = arith.constant 4 : i32
    %dma_start3A_20 = arith.constant 0 : i32
    %dma_start3A_21 = tpu.memref_slice %arg7[%dma_start3A_19, %dma_start3A_20] : memref<8x128xi32, #tpu.memory_space<vmem>> -> memref<4x128xi32, #tpu.memory_space<vmem>>
    %dma_start3A_22 = arith.constant 0 : i32
    %dma_start3A_23 = tpu.memref_slice %arg3[%mul3A_2, %dma_start3A_22] : memref<128x128xi32, #tpu.memory_space<hbm>> -> memref<4x128xi32, #tpu.memory_space<hbm>>
    tpu.enqueue_dma source(%dma_start3A_23 : memref<4x128xi32, #tpu.memory_space<hbm>>) target(%dma_start3A_21 : memref<4x128xi32, #tpu.memory_space<vmem>>) target_semaphore(%arg21 : memref<!tpu.dma_semaphore, #tpu.memory_space<semaphore_mem>>)
    %add3A_24 = arith.constant 0 : i32
    %add3A_25 = arith.addi %mul3A_4, %add3A_24 : i32
    %add3A_26 = arith.constant 128 : i32
    %add3A_27 = arith.addi %mul3A_4, %add3A_26 : i32
    %add3A_28 = arith.constant 256 : i32
    %add3A_29 = arith.addi %mul3A_4, %add3A_28 : i32
    %add3A_30 = arith.constant 384 : i32
    %add3A_31 = arith.addi %mul3A_4, %add3A_30 : i32
    %add3A_32 = arith.constant 0 : i32
    %add3A_33 = arith.addi %mul3A_4, %add3A_32 : i32
    %add3A_34 = arith.constant 128 : i32
    %add3A_35 = arith.addi %mul3A_4, %add3A_34 : i32
    %add3A_36 = arith.constant 256 : i32
    %add3A_37 = arith.addi %mul3A_4, %add3A_36 : i32
    %add3A_38 = arith.constant 384 : i32
    %add3A_39 = arith.addi %mul3A_4, %add3A_38 : i32
    %dma_wait3A = arith.constant 0 : i32
    %dma_wait3A_40 = arith.constant 0 : i32
    %dma_wait3A_41 = tpu.memref_slice %arg7[%dma_wait3A, %dma_wait3A_40] : memref<8x128xi32, #tpu.memory_space<vmem>> -> memref<4x128xi32, #tpu.memory_space<vmem>>
    %dma_wait3A_42 = arith.constant 0 : i32
    %dma_wait3A_43 = tpu.memref_slice %arg2[%mul3A_2, %dma_wait3A_42] : memref<128x128xi32, #tpu.memory_space<hbm>> -> memref<4x128xi32, #tpu.memory_space<hbm>>
    %dma_wait3A_44 = arith.constant 0 : i32
    %dma_wait3A_45 = arith.constant 0 : i32
    %dma_wait3A_46 = tpu.memref_slice %arg7[%dma_wait3A_44, %dma_wait3A_45] : memref<8x128xi32, #tpu.memory_space<vmem>> -> memref<4x128xi32, #tpu.memory_space<vmem>>
    %dma_wait3A_47 = arith.constant 0 : i32
    %dma_wait3A_48 = tpu.memref_slice %arg2[%mul3A_2, %dma_wait3A_47] : memref<128x128xi32, #tpu.memory_space<hbm>> -> memref<4x128xi32, #tpu.memory_space<hbm>>
    tpu.wait_dma2 semaphore(%arg20 : memref<!tpu.dma_semaphore, #tpu.memory_space<semaphore_mem>>) src(%dma_wait3A_48 : memref<4x128xi32, #tpu.memory_space<hbm>>) dst(%dma_wait3A_46 : memref<4x128xi32, #tpu.memory_space<vmem>>)
    %dma_start3A_49 = arith.constant 0 : i32
    %dma_start3A_50 = arith.constant 0 : i32
    %dma_start3A_51 = tpu.memref_slice %arg7[%dma_start3A_49, %dma_start3A_50] : memref<8x128xi32, #tpu.memory_space<vmem>> -> memref<1x128xi32, #tpu.memory_space<vmem>>
    %dma_start3A_52 = tpu.memref_squeeze %dma_start3A_51 : memref<1x128xi32, #tpu.memory_space<vmem>> -> memref<128xi32, #tpu.memory_space<vmem>>
    %dma_start3A_53 = arith.constant 0 : i32
    %dma_start3A_54 = arith.constant 0 : i32
    %dma_start3A_55 = tpu.memref_slice %arg4[%dma_start3A_53, %dma_start3A_54] : memref<100000x128xf32, #tpu.memory_space<hbm>> -> memref<100000x128xf32, #tpu.memory_space<hbm>>
    tpu.enqueue_indirect_dma source(%dma_start3A_55 : memref<100000x128xf32, #tpu.memory_space<hbm>>) target(%arg8 : memref<128x128xf32, #tpu.memory_space<vmem>>) offsets(%dma_start3A_52 : memref<128xi32, #tpu.memory_space<vmem>>) semaphore(%arg12 : memref<!tpu.dma_semaphore, #tpu.memory_space<semaphore_mem>>)
    %dma_start3A_56 = arith.constant 1 : i32
    %dma_start3A_57 = arith.constant 0 : i32
    %dma_start3A_58 = tpu.memref_slice %arg7[%dma_start3A_56, %dma_start3A_57] : memref<8x128xi32, #tpu.memory_space<vmem>> -> memref<1x128xi32, #tpu.memory_space<vmem>>
    %dma_start3A_59 = tpu.memref_squeeze %dma_start3A_58 : memref<1x128xi32, #tpu.memory_space<vmem>> -> memref<128xi32, #tpu.memory_space<vmem>>
    %dma_start3A_60 = arith.constant 0 : i32
    %dma_start3A_61 = arith.constant 0 : i32
    %dma_start3A_62 = tpu.memref_slice %arg4[%dma_start3A_60, %dma_start3A_61] : memref<100000x128xf32, #tpu.memory_space<hbm>> -> memref<100000x128xf32, #tpu.memory_space<hbm>>
    tpu.enqueue_indirect_dma source(%dma_start3A_62 : memref<100000x128xf32, #tpu.memory_space<hbm>>) target(%arg9 : memref<128x128xf32, #tpu.memory_space<vmem>>) offsets(%dma_start3A_59 : memref<128xi32, #tpu.memory_space<vmem>>) semaphore(%arg13 : memref<!tpu.dma_semaphore, #tpu.memory_space<semaphore_mem>>)
    %dma_wait3A_63 = arith.constant 0 : i32
    %dma_wait3A_64 = arith.constant 0 : i32
    %dma_wait3A_65 = tpu.memref_slice %arg7[%dma_wait3A_63, %dma_wait3A_64] : memref<8x128xi32, #tpu.memory_space<vmem>> -> memref<1x128xi32, #tpu.memory_space<vmem>>
    %dma_wait3A_66 = tpu.memref_squeeze %dma_wait3A_65 : memref<1x128xi32, #tpu.memory_space<vmem>> -> memref<128xi32, #tpu.memory_space<vmem>>
    %dma_wait3A_67 = arith.constant 0 : i32
    %dma_wait3A_68 = arith.constant 0 : i32
    %dma_wait3A_69 = tpu.memref_slice %arg4[%dma_wait3A_67, %dma_wait3A_68] : memref<100000x128xf32, #tpu.memory_space<hbm>> -> memref<100000x128xf32, #tpu.memory_space<hbm>>
    tpu.wait_indirect_dma semaphore(%arg12 : memref<!tpu.dma_semaphore, #tpu.memory_space<semaphore_mem>>) src(%dma_wait3A_69 : memref<100000x128xf32, #tpu.memory_space<hbm>>) dst(%arg8 : memref<128x128xf32, #tpu.memory_space<vmem>>)
    %dma_start3A_70 = arith.constant 0 : i32
    %dma_start3A_71 = tpu.memref_slice %arg5[%add3A_25, %dma_start3A_70] : memref<16384x128xf32, #tpu.memory_space<hbm>> -> memref<128x128xf32, #tpu.memory_space<hbm>>
    %dma_start3A_72 = arith.constant 0 : i32
    %dma_start3A_73 = tpu.memref_slice %arg5[%add3A_25, %dma_start3A_72] : memref<16384x128xf32, #tpu.memory_space<hbm>> -> memref<128x128xf32, #tpu.memory_space<hbm>>
    tpu.enqueue_dma source(%arg8 : memref<128x128xf32, #tpu.memory_space<vmem>>) target(%dma_start3A_73 : memref<128x128xf32, #tpu.memory_space<hbm>>) target_semaphore(%arg16 : memref<!tpu.dma_semaphore, #tpu.memory_space<semaphore_mem>>)
    %dma_start3A_74 = arith.constant 2 : i32
    %dma_start3A_75 = arith.constant 0 : i32
    %dma_start3A_76 = tpu.memref_slice %arg7[%dma_start3A_74, %dma_start3A_75] : memref<8x128xi32, #tpu.memory_space<vmem>> -> memref<1x128xi32, #tpu.memory_space<vmem>>
    %dma_start3A_77 = tpu.memref_squeeze %dma_start3A_76 : memref<1x128xi32, #tpu.memory_space<vmem>> -> memref<128xi32, #tpu.memory_space<vmem>>
    %dma_start3A_78 = arith.constant 0 : i32
    %dma_start3A_79 = arith.constant 0 : i32
    %dma_start3A_80 = tpu.memref_slice %arg4[%dma_start3A_78, %dma_start3A_79] : memref<100000x128xf32, #tpu.memory_space<hbm>> -> memref<100000x128xf32, #tpu.memory_space<hbm>>
    tpu.enqueue_indirect_dma source(%dma_start3A_80 : memref<100000x128xf32, #tpu.memory_space<hbm>>) target(%arg10 : memref<128x128xf32, #tpu.memory_space<vmem>>) offsets(%dma_start3A_77 : memref<128xi32, #tpu.memory_space<vmem>>) semaphore(%arg14 : memref<!tpu.dma_semaphore, #tpu.memory_space<semaphore_mem>>)
    %dma_wait3A_81 = arith.constant 1 : i32
    %dma_wait3A_82 = arith.constant 0 : i32
    %dma_wait3A_83 = tpu.memref_slice %arg7[%dma_wait3A_81, %dma_wait3A_82] : memref<8x128xi32, #tpu.memory_space<vmem>> -> memref<1x128xi32, #tpu.memory_space<vmem>>
    %dma_wait3A_84 = tpu.memref_squeeze %dma_wait3A_83 : memref<1x128xi32, #tpu.memory_space<vmem>> -> memref<128xi32, #tpu.memory_space<vmem>>
    %dma_wait3A_85 = arith.constant 0 : i32
    %dma_wait3A_86 = arith.constant 0 : i32
    %dma_wait3A_87 = tpu.memref_slice %arg4[%dma_wait3A_85, %dma_wait3A_86] : memref<100000x128xf32, #tpu.memory_space<hbm>> -> memref<100000x128xf32, #tpu.memory_space<hbm>>
    tpu.wait_indirect_dma semaphore(%arg13 : memref<!tpu.dma_semaphore, #tpu.memory_space<semaphore_mem>>) src(%dma_wait3A_87 : memref<100000x128xf32, #tpu.memory_space<hbm>>) dst(%arg9 : memref<128x128xf32, #tpu.memory_space<vmem>>)
    %dma_start3A_88 = arith.constant 0 : i32
    %dma_start3A_89 = tpu.memref_slice %arg5[%add3A_27, %dma_start3A_88] : memref<16384x128xf32, #tpu.memory_space<hbm>> -> memref<128x128xf32, #tpu.memory_space<hbm>>
    %dma_start3A_90 = arith.constant 0 : i32
    %dma_start3A_91 = tpu.memref_slice %arg5[%add3A_27, %dma_start3A_90] : memref<16384x128xf32, #tpu.memory_space<hbm>> -> memref<128x128xf32, #tpu.memory_space<hbm>>
    tpu.enqueue_dma source(%arg9 : memref<128x128xf32, #tpu.memory_space<vmem>>) target(%dma_start3A_91 : memref<128x128xf32, #tpu.memory_space<hbm>>) target_semaphore(%arg17 : memref<!tpu.dma_semaphore, #tpu.memory_space<semaphore_mem>>)
    %dma_start3A_92 = arith.constant 3 : i32
    %dma_start3A_93 = arith.constant 0 : i32
    %dma_start3A_94 = tpu.memref_slice %arg7[%dma_start3A_92, %dma_start3A_93] : memref<8x128xi32, #tpu.memory_space<vmem>> -> memref<1x128xi32, #tpu.memory_space<vmem>>
    %dma_start3A_95 = tpu.memref_squeeze %dma_start3A_94 : memref<1x128xi32, #tpu.memory_space<vmem>> -> memref<128xi32, #tpu.memory_space<vmem>>
    %dma_start3A_96 = arith.constant 0 : i32
    %dma_start3A_97 = arith.constant 0 : i32
    %dma_start3A_98 = tpu.memref_slice %arg4[%dma_start3A_96, %dma_start3A_97] : memref<100000x128xf32, #tpu.memory_space<hbm>> -> memref<100000x128xf32, #tpu.memory_space<hbm>>
    tpu.enqueue_indirect_dma source(%dma_start3A_98 : memref<100000x128xf32, #tpu.memory_space<hbm>>) target(%arg11 : memref<128x128xf32, #tpu.memory_space<vmem>>) offsets(%dma_start3A_95 : memref<128xi32, #tpu.memory_space<vmem>>) semaphore(%arg15 : memref<!tpu.dma_semaphore, #tpu.memory_space<semaphore_mem>>)
    %dma_wait3A_99 = arith.constant 2 : i32
    %dma_wait3A_100 = arith.constant 0 : i32
    %dma_wait3A_101 = tpu.memref_slice %arg7[%dma_wait3A_99, %dma_wait3A_100] : memref<8x128xi32, #tpu.memory_space<vmem>> -> memref<1x128xi32, #tpu.memory_space<vmem>>
    %dma_wait3A_102 = tpu.memref_squeeze %dma_wait3A_101 : memref<1x128xi32, #tpu.memory_space<vmem>> -> memref<128xi32, #tpu.memory_space<vmem>>
    %dma_wait3A_103 = arith.constant 0 : i32
    %dma_wait3A_104 = arith.constant 0 : i32
    %dma_wait3A_105 = tpu.memref_slice %arg4[%dma_wait3A_103, %dma_wait3A_104] : memref<100000x128xf32, #tpu.memory_space<hbm>> -> memref<100000x128xf32, #tpu.memory_space<hbm>>
    tpu.wait_indirect_dma semaphore(%arg14 : memref<!tpu.dma_semaphore, #tpu.memory_space<semaphore_mem>>) src(%dma_wait3A_105 : memref<100000x128xf32, #tpu.memory_space<hbm>>) dst(%arg10 : memref<128x128xf32, #tpu.memory_space<vmem>>)
    %dma_start3A_106 = arith.constant 0 : i32
    %dma_start3A_107 = tpu.memref_slice %arg5[%add3A_29, %dma_start3A_106] : memref<16384x128xf32, #tpu.memory_space<hbm>> -> memref<128x128xf32, #tpu.memory_space<hbm>>
    %dma_start3A_108 = arith.constant 0 : i32
    %dma_start3A_109 = tpu.memref_slice %arg5[%add3A_29, %dma_start3A_108] : memref<16384x128xf32, #tpu.memory_space<hbm>> -> memref<128x128xf32, #tpu.memory_space<hbm>>
    tpu.enqueue_dma source(%arg10 : memref<128x128xf32, #tpu.memory_space<vmem>>) target(%dma_start3A_109 : memref<128x128xf32, #tpu.memory_space<hbm>>) target_semaphore(%arg18 : memref<!tpu.dma_semaphore, #tpu.memory_space<semaphore_mem>>)
    %dma_wait3A_110 = arith.constant 4 : i32
    %dma_wait3A_111 = arith.constant 0 : i32
    %dma_wait3A_112 = tpu.memref_slice %arg7[%dma_wait3A_110, %dma_wait3A_111] : memref<8x128xi32, #tpu.memory_space<vmem>> -> memref<4x128xi32, #tpu.memory_space<vmem>>
    %dma_wait3A_113 = arith.constant 0 : i32
    %dma_wait3A_114 = tpu.memref_slice %arg3[%mul3A_2, %dma_wait3A_113] : memref<128x128xi32, #tpu.memory_space<hbm>> -> memref<4x128xi32, #tpu.memory_space<hbm>>
    %dma_wait3A_115 = arith.constant 4 : i32
    %dma_wait3A_116 = arith.constant 0 : i32
    %dma_wait3A_117 = tpu.memref_slice %arg7[%dma_wait3A_115, %dma_wait3A_116] : memref<8x128xi32, #tpu.memory_space<vmem>> -> memref<4x128xi32, #tpu.memory_space<vmem>>
    %dma_wait3A_118 = arith.constant 0 : i32
    %dma_wait3A_119 = tpu.memref_slice %arg3[%mul3A_2, %dma_wait3A_118] : memref<128x128xi32, #tpu.memory_space<hbm>> -> memref<4x128xi32, #tpu.memory_space<hbm>>
    tpu.wait_dma2 semaphore(%arg21 : memref<!tpu.dma_semaphore, #tpu.memory_space<semaphore_mem>>) src(%dma_wait3A_119 : memref<4x128xi32, #tpu.memory_space<hbm>>) dst(%dma_wait3A_117 : memref<4x128xi32, #tpu.memory_space<vmem>>)
    %dma_wait3A_120 = arith.constant 0 : i32
    %dma_wait3A_121 = tpu.memref_slice %arg5[%add3A_25, %dma_wait3A_120] : memref<16384x128xf32, #tpu.memory_space<hbm>> -> memref<128x128xf32, #tpu.memory_space<hbm>>
    %dma_wait3A_122 = arith.constant 0 : i32
    %dma_wait3A_123 = tpu.memref_slice %arg5[%add3A_25, %dma_wait3A_122] : memref<16384x128xf32, #tpu.memory_space<hbm>> -> memref<128x128xf32, #tpu.memory_space<hbm>>
    tpu.wait_dma2 semaphore(%arg16 : memref<!tpu.dma_semaphore, #tpu.memory_space<semaphore_mem>>) src(%arg8 : memref<128x128xf32, #tpu.memory_space<vmem>>) dst(%dma_wait3A_123 : memref<128x128xf32, #tpu.memory_space<hbm>>)
    %dma_start3A_124 = arith.constant 4 : i32
    %dma_start3A_125 = arith.constant 0 : i32
    %dma_start3A_126 = tpu.memref_slice %arg7[%dma_start3A_124, %dma_start3A_125] : memref<8x128xi32, #tpu.memory_space<vmem>> -> memref<1x128xi32, #tpu.memory_space<vmem>>
    %dma_start3A_127 = tpu.memref_squeeze %dma_start3A_126 : memref<1x128xi32, #tpu.memory_space<vmem>> -> memref<128xi32, #tpu.memory_space<vmem>>
    %dma_start3A_128 = arith.constant 0 : i32
    %dma_start3A_129 = arith.constant 0 : i32
    %dma_start3A_130 = tpu.memref_slice %arg4[%dma_start3A_128, %dma_start3A_129] : memref<100000x128xf32, #tpu.memory_space<hbm>> -> memref<100000x128xf32, #tpu.memory_space<hbm>>
    tpu.enqueue_indirect_dma source(%dma_start3A_130 : memref<100000x128xf32, #tpu.memory_space<hbm>>) target(%arg8 : memref<128x128xf32, #tpu.memory_space<vmem>>) offsets(%dma_start3A_127 : memref<128xi32, #tpu.memory_space<vmem>>) semaphore(%arg12 : memref<!tpu.dma_semaphore, #tpu.memory_space<semaphore_mem>>)
    %dma_wait3A_131 = arith.constant 3 : i32
    %dma_wait3A_132 = arith.constant 0 : i32
    %dma_wait3A_133 = tpu.memref_slice %arg7[%dma_wait3A_131, %dma_wait3A_132] : memref<8x128xi32, #tpu.memory_space<vmem>> -> memref<1x128xi32, #tpu.memory_space<vmem>>
    %dma_wait3A_134 = tpu.memref_squeeze %dma_wait3A_133 : memref<1x128xi32, #tpu.memory_space<vmem>> -> memref<128xi32, #tpu.memory_space<vmem>>
    %dma_wait3A_135 = arith.constant 0 : i32
    %dma_wait3A_136 = arith.constant 0 : i32
    %dma_wait3A_137 = tpu.memref_slice %arg4[%dma_wait3A_135, %dma_wait3A_136] : memref<100000x128xf32, #tpu.memory_space<hbm>> -> memref<100000x128xf32, #tpu.memory_space<hbm>>
    tpu.wait_indirect_dma semaphore(%arg15 : memref<!tpu.dma_semaphore, #tpu.memory_space<semaphore_mem>>) src(%dma_wait3A_137 : memref<100000x128xf32, #tpu.memory_space<hbm>>) dst(%arg11 : memref<128x128xf32, #tpu.memory_space<vmem>>)
    %dma_start3A_138 = arith.constant 0 : i32
    %dma_start3A_139 = tpu.memref_slice %arg5[%add3A_31, %dma_start3A_138] : memref<16384x128xf32, #tpu.memory_space<hbm>> -> memref<128x128xf32, #tpu.memory_space<hbm>>
    %dma_start3A_140 = arith.constant 0 : i32
    %dma_start3A_141 = tpu.memref_slice %arg5[%add3A_31, %dma_start3A_140] : memref<16384x128xf32, #tpu.memory_space<hbm>> -> memref<128x128xf32, #tpu.memory_space<hbm>>
    tpu.enqueue_dma source(%arg11 : memref<128x128xf32, #tpu.memory_space<vmem>>) target(%dma_start3A_141 : memref<128x128xf32, #tpu.memory_space<hbm>>) target_semaphore(%arg19 : memref<!tpu.dma_semaphore, #tpu.memory_space<semaphore_mem>>)
    %dma_wait3A_142 = arith.constant 0 : i32
    %dma_wait3A_143 = tpu.memref_slice %arg5[%add3A_27, %dma_wait3A_142] : memref<16384x128xf32, #tpu.memory_space<hbm>> -> memref<128x128xf32, #tpu.memory_space<hbm>>
    %dma_wait3A_144 = arith.constant 0 : i32
    %dma_wait3A_145 = tpu.memref_slice %arg5[%add3A_27, %dma_wait3A_144] : memref<16384x128xf32, #tpu.memory_space<hbm>> -> memref<128x128xf32, #tpu.memory_space<hbm>>
    tpu.wait_dma2 semaphore(%arg17 : memref<!tpu.dma_semaphore, #tpu.memory_space<semaphore_mem>>) src(%arg9 : memref<128x128xf32, #tpu.memory_space<vmem>>) dst(%dma_wait3A_145 : memref<128x128xf32, #tpu.memory_space<hbm>>)
    %dma_start3A_146 = arith.constant 5 : i32
    %dma_start3A_147 = arith.constant 0 : i32
    %dma_start3A_148 = tpu.memref_slice %arg7[%dma_start3A_146, %dma_start3A_147] : memref<8x128xi32, #tpu.memory_space<vmem>> -> memref<1x128xi32, #tpu.memory_space<vmem>>
    %dma_start3A_149 = tpu.memref_squeeze %dma_start3A_148 : memref<1x128xi32, #tpu.memory_space<vmem>> -> memref<128xi32, #tpu.memory_space<vmem>>
    %dma_start3A_150 = arith.constant 0 : i32
    %dma_start3A_151 = arith.constant 0 : i32
    %dma_start3A_152 = tpu.memref_slice %arg4[%dma_start3A_150, %dma_start3A_151] : memref<100000x128xf32, #tpu.memory_space<hbm>> -> memref<100000x128xf32, #tpu.memory_space<hbm>>
    tpu.enqueue_indirect_dma source(%dma_start3A_152 : memref<100000x128xf32, #tpu.memory_space<hbm>>) target(%arg9 : memref<128x128xf32, #tpu.memory_space<vmem>>) offsets(%dma_start3A_149 : memref<128xi32, #tpu.memory_space<vmem>>) semaphore(%arg13 : memref<!tpu.dma_semaphore, #tpu.memory_space<semaphore_mem>>)
    %dma_wait3A_153 = arith.constant 4 : i32
    %dma_wait3A_154 = arith.constant 0 : i32
    %dma_wait3A_155 = tpu.memref_slice %arg7[%dma_wait3A_153, %dma_wait3A_154] : memref<8x128xi32, #tpu.memory_space<vmem>> -> memref<1x128xi32, #tpu.memory_space<vmem>>
    %dma_wait3A_156 = tpu.memref_squeeze %dma_wait3A_155 : memref<1x128xi32, #tpu.memory_space<vmem>> -> memref<128xi32, #tpu.memory_space<vmem>>
    %dma_wait3A_157 = arith.constant 0 : i32
    %dma_wait3A_158 = arith.constant 0 : i32
    %dma_wait3A_159 = tpu.memref_slice %arg4[%dma_wait3A_157, %dma_wait3A_158] : memref<100000x128xf32, #tpu.memory_space<hbm>> -> memref<100000x128xf32, #tpu.memory_space<hbm>>
    tpu.wait_indirect_dma semaphore(%arg12 : memref<!tpu.dma_semaphore, #tpu.memory_space<semaphore_mem>>) src(%dma_wait3A_159 : memref<100000x128xf32, #tpu.memory_space<hbm>>) dst(%arg8 : memref<128x128xf32, #tpu.memory_space<vmem>>)
    %dma_start3A_160 = arith.constant 0 : i32
    %dma_start3A_161 = tpu.memref_slice %arg6[%add3A_33, %dma_start3A_160] : memref<16384x128xf32, #tpu.memory_space<hbm>> -> memref<128x128xf32, #tpu.memory_space<hbm>>
    %dma_start3A_162 = arith.constant 0 : i32
    %dma_start3A_163 = tpu.memref_slice %arg6[%add3A_33, %dma_start3A_162] : memref<16384x128xf32, #tpu.memory_space<hbm>> -> memref<128x128xf32, #tpu.memory_space<hbm>>
    tpu.enqueue_dma source(%arg8 : memref<128x128xf32, #tpu.memory_space<vmem>>) target(%dma_start3A_163 : memref<128x128xf32, #tpu.memory_space<hbm>>) target_semaphore(%arg16 : memref<!tpu.dma_semaphore, #tpu.memory_space<semaphore_mem>>)
    %dma_wait3A_164 = arith.constant 0 : i32
    %dma_wait3A_165 = tpu.memref_slice %arg5[%add3A_29, %dma_wait3A_164] : memref<16384x128xf32, #tpu.memory_space<hbm>> -> memref<128x128xf32, #tpu.memory_space<hbm>>
    %dma_wait3A_166 = arith.constant 0 : i32
    %dma_wait3A_167 = tpu.memref_slice %arg5[%add3A_29, %dma_wait3A_166] : memref<16384x128xf32, #tpu.memory_space<hbm>> -> memref<128x128xf32, #tpu.memory_space<hbm>>
    tpu.wait_dma2 semaphore(%arg18 : memref<!tpu.dma_semaphore, #tpu.memory_space<semaphore_mem>>) src(%arg10 : memref<128x128xf32, #tpu.memory_space<vmem>>) dst(%dma_wait3A_167 : memref<128x128xf32, #tpu.memory_space<hbm>>)
    %dma_start3A_168 = arith.constant 6 : i32
    %dma_start3A_169 = arith.constant 0 : i32
    %dma_start3A_170 = tpu.memref_slice %arg7[%dma_start3A_168, %dma_start3A_169] : memref<8x128xi32, #tpu.memory_space<vmem>> -> memref<1x128xi32, #tpu.memory_space<vmem>>
    %dma_start3A_171 = tpu.memref_squeeze %dma_start3A_170 : memref<1x128xi32, #tpu.memory_space<vmem>> -> memref<128xi32, #tpu.memory_space<vmem>>
    %dma_start3A_172 = arith.constant 0 : i32
    %dma_start3A_173 = arith.constant 0 : i32
    %dma_start3A_174 = tpu.memref_slice %arg4[%dma_start3A_172, %dma_start3A_173] : memref<100000x128xf32, #tpu.memory_space<hbm>> -> memref<100000x128xf32, #tpu.memory_space<hbm>>
    tpu.enqueue_indirect_dma source(%dma_start3A_174 : memref<100000x128xf32, #tpu.memory_space<hbm>>) target(%arg10 : memref<128x128xf32, #tpu.memory_space<vmem>>) offsets(%dma_start3A_171 : memref<128xi32, #tpu.memory_space<vmem>>) semaphore(%arg14 : memref<!tpu.dma_semaphore, #tpu.memory_space<semaphore_mem>>)
    %dma_wait3A_175 = arith.constant 5 : i32
    %dma_wait3A_176 = arith.constant 0 : i32
    %dma_wait3A_177 = tpu.memref_slice %arg7[%dma_wait3A_175, %dma_wait3A_176] : memref<8x128xi32, #tpu.memory_space<vmem>> -> memref<1x128xi32, #tpu.memory_space<vmem>>
    %dma_wait3A_178 = tpu.memref_squeeze %dma_wait3A_177 : memref<1x128xi32, #tpu.memory_space<vmem>> -> memref<128xi32, #tpu.memory_space<vmem>>
    %dma_wait3A_179 = arith.constant 0 : i32
    %dma_wait3A_180 = arith.constant 0 : i32
    %dma_wait3A_181 = tpu.memref_slice %arg4[%dma_wait3A_179, %dma_wait3A_180] : memref<100000x128xf32, #tpu.memory_space<hbm>> -> memref<100000x128xf32, #tpu.memory_space<hbm>>
    tpu.wait_indirect_dma semaphore(%arg13 : memref<!tpu.dma_semaphore, #tpu.memory_space<semaphore_mem>>) src(%dma_wait3A_181 : memref<100000x128xf32, #tpu.memory_space<hbm>>) dst(%arg9 : memref<128x128xf32, #tpu.memory_space<vmem>>)
    %dma_start3A_182 = arith.constant 0 : i32
    %dma_start3A_183 = tpu.memref_slice %arg6[%add3A_35, %dma_start3A_182] : memref<16384x128xf32, #tpu.memory_space<hbm>> -> memref<128x128xf32, #tpu.memory_space<hbm>>
    %dma_start3A_184 = arith.constant 0 : i32
    %dma_start3A_185 = tpu.memref_slice %arg6[%add3A_35, %dma_start3A_184] : memref<16384x128xf32, #tpu.memory_space<hbm>> -> memref<128x128xf32, #tpu.memory_space<hbm>>
    tpu.enqueue_dma source(%arg9 : memref<128x128xf32, #tpu.memory_space<vmem>>) target(%dma_start3A_185 : memref<128x128xf32, #tpu.memory_space<hbm>>) target_semaphore(%arg17 : memref<!tpu.dma_semaphore, #tpu.memory_space<semaphore_mem>>)
    %dma_wait3A_186 = arith.constant 0 : i32
    %dma_wait3A_187 = tpu.memref_slice %arg5[%add3A_31, %dma_wait3A_186] : memref<16384x128xf32, #tpu.memory_space<hbm>> -> memref<128x128xf32, #tpu.memory_space<hbm>>
    %dma_wait3A_188 = arith.constant 0 : i32
    %dma_wait3A_189 = tpu.memref_slice %arg5[%add3A_31, %dma_wait3A_188] : memref<16384x128xf32, #tpu.memory_space<hbm>> -> memref<128x128xf32, #tpu.memory_space<hbm>>
    tpu.wait_dma2 semaphore(%arg19 : memref<!tpu.dma_semaphore, #tpu.memory_space<semaphore_mem>>) src(%arg11 : memref<128x128xf32, #tpu.memory_space<vmem>>) dst(%dma_wait3A_189 : memref<128x128xf32, #tpu.memory_space<hbm>>)
    %dma_start3A_190 = arith.constant 7 : i32
    %dma_start3A_191 = arith.constant 0 : i32
    %dma_start3A_192 = tpu.memref_slice %arg7[%dma_start3A_190, %dma_start3A_191] : memref<8x128xi32, #tpu.memory_space<vmem>> -> memref<1x128xi32, #tpu.memory_space<vmem>>
    %dma_start3A_193 = tpu.memref_squeeze %dma_start3A_192 : memref<1x128xi32, #tpu.memory_space<vmem>> -> memref<128xi32, #tpu.memory_space<vmem>>
    %dma_start3A_194 = arith.constant 0 : i32
    %dma_start3A_195 = arith.constant 0 : i32
    %dma_start3A_196 = tpu.memref_slice %arg4[%dma_start3A_194, %dma_start3A_195] : memref<100000x128xf32, #tpu.memory_space<hbm>> -> memref<100000x128xf32, #tpu.memory_space<hbm>>
    tpu.enqueue_indirect_dma source(%dma_start3A_196 : memref<100000x128xf32, #tpu.memory_space<hbm>>) target(%arg11 : memref<128x128xf32, #tpu.memory_space<vmem>>) offsets(%dma_start3A_193 : memref<128xi32, #tpu.memory_space<vmem>>) semaphore(%arg15 : memref<!tpu.dma_semaphore, #tpu.memory_space<semaphore_mem>>)
    %dma_wait3A_197 = arith.constant 6 : i32
    %dma_wait3A_198 = arith.constant 0 : i32
    %dma_wait3A_199 = tpu.memref_slice %arg7[%dma_wait3A_197, %dma_wait3A_198] : memref<8x128xi32, #tpu.memory_space<vmem>> -> memref<1x128xi32, #tpu.memory_space<vmem>>
    %dma_wait3A_200 = tpu.memref_squeeze %dma_wait3A_199 : memref<1x128xi32, #tpu.memory_space<vmem>> -> memref<128xi32, #tpu.memory_space<vmem>>
    %dma_wait3A_201 = arith.constant 0 : i32
    %dma_wait3A_202 = arith.constant 0 : i32
    %dma_wait3A_203 = tpu.memref_slice %arg4[%dma_wait3A_201, %dma_wait3A_202] : memref<100000x128xf32, #tpu.memory_space<hbm>> -> memref<100000x128xf32, #tpu.memory_space<hbm>>
    tpu.wait_indirect_dma semaphore(%arg14 : memref<!tpu.dma_semaphore, #tpu.memory_space<semaphore_mem>>) src(%dma_wait3A_203 : memref<100000x128xf32, #tpu.memory_space<hbm>>) dst(%arg10 : memref<128x128xf32, #tpu.memory_space<vmem>>)
    %dma_start3A_204 = arith.constant 0 : i32
    %dma_start3A_205 = tpu.memref_slice %arg6[%add3A_37, %dma_start3A_204] : memref<16384x128xf32, #tpu.memory_space<hbm>> -> memref<128x128xf32, #tpu.memory_space<hbm>>
    %dma_start3A_206 = arith.constant 0 : i32
    %dma_start3A_207 = tpu.memref_slice %arg6[%add3A_37, %dma_start3A_206] : memref<16384x128xf32, #tpu.memory_space<hbm>> -> memref<128x128xf32, #tpu.memory_space<hbm>>
    tpu.enqueue_dma source(%arg10 : memref<128x128xf32, #tpu.memory_space<vmem>>) target(%dma_start3A_207 : memref<128x128xf32, #tpu.memory_space<hbm>>) target_semaphore(%arg18 : memref<!tpu.dma_semaphore, #tpu.memory_space<semaphore_mem>>)
    %dma_wait3A_208 = arith.constant 7 : i32
    %dma_wait3A_209 = arith.constant 0 : i32
    %dma_wait3A_210 = tpu.memref_slice %arg7[%dma_wait3A_208, %dma_wait3A_209] : memref<8x128xi32, #tpu.memory_space<vmem>> -> memref<1x128xi32, #tpu.memory_space<vmem>>
    %dma_wait3A_211 = tpu.memref_squeeze %dma_wait3A_210 : memref<1x128xi32, #tpu.memory_space<vmem>> -> memref<128xi32, #tpu.memory_space<vmem>>
    %dma_wait3A_212 = arith.constant 0 : i32
    %dma_wait3A_213 = arith.constant 0 : i32
    %dma_wait3A_214 = tpu.memref_slice %arg4[%dma_wait3A_212, %dma_wait3A_213] : memref<100000x128xf32, #tpu.memory_space<hbm>> -> memref<100000x128xf32, #tpu.memory_space<hbm>>
    tpu.wait_indirect_dma semaphore(%arg15 : memref<!tpu.dma_semaphore, #tpu.memory_space<semaphore_mem>>) src(%dma_wait3A_214 : memref<100000x128xf32, #tpu.memory_space<hbm>>) dst(%arg11 : memref<128x128xf32, #tpu.memory_space<vmem>>)
    %dma_start3A_215 = arith.constant 0 : i32
    %dma_start3A_216 = tpu.memref_slice %arg6[%add3A_39, %dma_start3A_215] : memref<16384x128xf32, #tpu.memory_space<hbm>> -> memref<128x128xf32, #tpu.memory_space<hbm>>
    %dma_start3A_217 = arith.constant 0 : i32
    %dma_start3A_218 = tpu.memref_slice %arg6[%add3A_39, %dma_start3A_217] : memref<16384x128xf32, #tpu.memory_space<hbm>> -> memref<128x128xf32, #tpu.memory_space<hbm>>
    tpu.enqueue_dma source(%arg11 : memref<128x128xf32, #tpu.memory_space<vmem>>) target(%dma_start3A_218 : memref<128x128xf32, #tpu.memory_space<hbm>>) target_semaphore(%arg19 : memref<!tpu.dma_semaphore, #tpu.memory_space<semaphore_mem>>)
    %dma_wait3A_219 = arith.constant 0 : i32
    %dma_wait3A_220 = tpu.memref_slice %arg6[%add3A_33, %dma_wait3A_219] : memref<16384x128xf32, #tpu.memory_space<hbm>> -> memref<128x128xf32, #tpu.memory_space<hbm>>
    %dma_wait3A_221 = arith.constant 0 : i32
    %dma_wait3A_222 = tpu.memref_slice %arg6[%add3A_33, %dma_wait3A_221] : memref<16384x128xf32, #tpu.memory_space<hbm>> -> memref<128x128xf32, #tpu.memory_space<hbm>>
    tpu.wait_dma2 semaphore(%arg16 : memref<!tpu.dma_semaphore, #tpu.memory_space<semaphore_mem>>) src(%arg8 : memref<128x128xf32, #tpu.memory_space<vmem>>) dst(%dma_wait3A_222 : memref<128x128xf32, #tpu.memory_space<hbm>>)
    %dma_wait3A_223 = arith.constant 0 : i32
    %dma_wait3A_224 = tpu.memref_slice %arg6[%add3A_35, %dma_wait3A_223] : memref<16384x128xf32, #tpu.memory_space<hbm>> -> memref<128x128xf32, #tpu.memory_space<hbm>>
    %dma_wait3A_225 = arith.constant 0 : i32
    %dma_wait3A_226 = tpu.memref_slice %arg6[%add3A_35, %dma_wait3A_225] : memref<16384x128xf32, #tpu.memory_space<hbm>> -> memref<128x128xf32, #tpu.memory_space<hbm>>
    tpu.wait_dma2 semaphore(%arg17 : memref<!tpu.dma_semaphore, #tpu.memory_space<semaphore_mem>>) src(%arg9 : memref<128x128xf32, #tpu.memory_space<vmem>>) dst(%dma_wait3A_226 : memref<128x128xf32, #tpu.memory_space<hbm>>)
    %dma_wait3A_227 = arith.constant 0 : i32
    %dma_wait3A_228 = tpu.memref_slice %arg6[%add3A_37, %dma_wait3A_227] : memref<16384x128xf32, #tpu.memory_space<hbm>> -> memref<128x128xf32, #tpu.memory_space<hbm>>
    %dma_wait3A_229 = arith.constant 0 : i32
    %dma_wait3A_230 = tpu.memref_slice %arg6[%add3A_37, %dma_wait3A_229] : memref<16384x128xf32, #tpu.memory_space<hbm>> -> memref<128x128xf32, #tpu.memory_space<hbm>>
    tpu.wait_dma2 semaphore(%arg18 : memref<!tpu.dma_semaphore, #tpu.memory_space<semaphore_mem>>) src(%arg10 : memref<128x128xf32, #tpu.memory_space<vmem>>) dst(%dma_wait3A_230 : memref<128x128xf32, #tpu.memory_space<hbm>>)
    %dma_wait3A_231 = arith.constant 0 : i32
    %dma_wait3A_232 = tpu.memref_slice %arg6[%add3A_39, %dma_wait3A_231] : memref<16384x128xf32, #tpu.memory_space<hbm>> -> memref<128x128xf32, #tpu.memory_space<hbm>>
    %dma_wait3A_233 = arith.constant 0 : i32
    %dma_wait3A_234 = tpu.memref_slice %arg6[%add3A_39, %dma_wait3A_233] : memref<16384x128xf32, #tpu.memory_space<hbm>> -> memref<128x128xf32, #tpu.memory_space<hbm>>
    tpu.wait_dma2 semaphore(%arg19 : memref<!tpu.dma_semaphore, #tpu.memory_space<semaphore_mem>>) src(%arg11 : memref<128x128xf32, #tpu.memory_space<vmem>>) dst(%dma_wait3A_234 : memref<128x128xf32, #tpu.memory_space<hbm>>)
    return
  }
}

</mosaic_0001>

<sc_bundles>
// kernel: kernel.3.cloned.1.call-start
scs
__scs_entry_jumppad:
0x0: {  	(pc) =	sbr.rel $0x88, $3  }
0x1: {  	(tag) =	ssettag $0x0;
	lr =	simm.s32 $0x1  }
0x2: {  	[smem:$0x3F9E] =	sst lr;
	_ =	strace $0xD0000000  }
0x3: {  	_ = 	snop  }
0x4: {  	_ = 	snop  }
0x5: {  	_ = 	snop  }
0x6: {  	_ = 	snop  }
0x7: {  	_ = 	snop  }
__scs_overlays_trampoline_lowered:
0x8: {  	[smem:$0x3FAD] =	sst s0  }
0x9: {  	[smem:$0x3FAE] =	sst s1  }
0xa: {  	[smem:$0x3FAF] =	sst s2  }
0xb: {  	[smem:$0x3FB0] =	sst s3  }
0xc: {  	[smem:$0x3FB1] =	sst s4  }
0xd: {  	[smem:$0x3FB2] =	sst s5  }
0xe: {  	[smem:$0x3FB3] =	sst s6  }
0xf: {  	[smem:$0x3FB4] =	sst s7  }
0x10: {  	[smem:$0x3FB5] =	sst s8  }
0x11: {  	[smem:$0x3FB6] =	sst s9;
	s0 =	simm.s32 @!p0 $0x0  }
0x12: {  	s1 =	sld [smem:$0x3F9C];
	s0 =	simm.s32 @p0 $0x1  }
0x13: {  	[smem:$0x3FB7] =	sst s0;
	s0 =	simm.s32 @!p1 $0x0  }
0x14: {  	s2 =	sld [smem:$0x3F9B];
	s0 =	simm.s32 @p1 $0x1  }
0x15: {  	[smem:$0x3FB8] =	sst s0;
	s0 =	simm.s32 @!p2 $0x0  }
0x16: {  	s3 =	sld [smem:$0x3FDB];
	s0 =	simm.s32 @p2 $0x1  }
0x17: {  	s4 =	simm.s32 $0x1BF5;
	[smem:$0x3FBA] =	sst s0  }
0x18: {  	s0 =	sld [smem:$0x3F9D];
	_ =	swait.ge [sflag:s4], $0x0  }
0x19: {  	s7 =	sld [smem:$0x3F9E]  }
0x1a: {  	s8 =	sadd.s32 $0xFFFFE003, lr  }
0x1b: {  	s9 =	sadd.s32 $0xFFFFFEF7, lr;
	s5 =	simm.s32 $0xFFFFFFFF;
	p2 =	slt.u32 s8, $0xFFFFF086  }
0x1c: {  	p1 =	slt.u32 s9, $0xF7A;
	s5 =	simm.s32 @!p2 $0x0  }
0x1d: {  	s5 =	simm.s32 @p1 $0x1;
	p0 =	seq.s32 s7, s2  }
0x1e: {  	s7 =	smul.u32 @!p0 $0xF7A, s2;
	p2 =	seq.s32 @!p0 s5, $0x0  }
0x1f: {  	s9 =	smul.u32 $0xF7A, s1;
	s8 =	simm.s32 @!p0 $0x1BF5;
	p2 =	por !p2, p0  }
0x20: {  	[sflag:s8] =	ssyncset.s32 @!p0 $0xFFFFF086;
	s6 =	sadd.s32 @!p0 s3, s7;
	s7 =	simm.s32 @!p0 $0x108  }
0x21: {  	s3 =	sadd.s32 s3, s9;
	s6 =	sadd.s32 @!p0 $0x88, s6;
	s7 =	simm.s32 @p2 $0x1082  }
0x22: {  	[simem:s7], [sflag:s8] =	dma.local @!p0 [hbm:s6], $0xF7A  }
0x23: {  	s9 =	sor.u32 $0xD0000000, s2;
	s6 =	simm.s32 $0x108;
	_ =	swait.ge @!p0 [sflag:s8], $0x0  }
0x24: {  	s3 =	sadd.s32 $0x88, s3;
	s6 =	simm.s32 @!p1 $0x1082;
	[sflag:s4] =	ssyncset.s32 $0xFFFFF086  }
0x25: {  	[simem:s6], [sflag:s4] =	dma.local [hbm:s3], $0xF7A  }
0x26: {  	[smem:$0x3F9E] =	sst s1;
	(tag) =	ssettag s2;
	_ =	strace s9  }
0x27: {  	s1 =	sld [smem:$0x3FAE]  }
0x28: {  	s2 =	sld [smem:$0x3FAF]  }
0x29: {  	s4 =	sld [smem:$0x3FB1]  }
0x2a: {  	p0 =	seq.s32 s5, $0x0;
	s5 =	sld [smem:$0x3FB2]  }
0x2b: {  	s6 =	sld [smem:$0x3FB3]  }
0x2c: {  	s7 =	sld [smem:$0x3FB4]  }
0x2d: {  	s3 =	simm.s32 $0x108;
	s8 =	sld [smem:$0x3FB5]  }
0x2e: {  	s3 =	simm.s32 @!p0 $0x1082;
	s9 =	sld [smem:$0x3FB6]  }
0x2f: {  	lr =	sadd.s32 s0, s3;
	s0 =	sld [smem:$0x3FAD]  }
0x30: {  	s3 =	sld [smem:$0x3FB0]  }
0x31: {  	[smem:$0x3FB9] =	sst s10  }
0x32: {  	s10 =	sld [smem:$0x3FB7];
	_ =	sdelay $0x3  }
0x33: {  	p0 =	seq.s32 s10, $0x1;
	s10 =	sld [smem:$0x3FB9];
	_ =	sdelay $0x3  }
0x34: {  	[smem:$0x3FB9] =	sst s10  }
0x35: {  	s10 =	sld [smem:$0x3FB8];
	_ =	sdelay $0x3  }
0x36: {  	p1 =	seq.s32 s10, $0x1;
	s10 =	sld [smem:$0x3FB9];
	_ =	sdelay $0x3  }
0x37: {  	[smem:$0x3FB9] =	sst s10  }
0x38: {  	s10 =	sld [smem:$0x3FBA]  }
0x39: {  	_ = 	snop;
	(pc) =	sbr.ind lr, $3  }
0x3a: {  	_ = 	snop  }
0x3b: {  	_ = 	snop  }
0x3c: {  	p2 =	seq.s32 s10, $0x1;
	s10 =	sld [smem:$0x3FB9]  }
0x3d: {  	_ =	shalt  }
0x3e: {  	_ =	shalt  }
0x3f: {  	_ =	shalt  }
0x40: {  	_ =	shalt  }
0x41: {  	_ =	shalt  }
0x42: {  	_ =	shalt  }
0x43: {  	_ =	shalt  }
0x44: {  	_ =	shalt  }
0x45: {  	_ =	shalt  }
0x46: {  	_ =	shalt  }
0x47: {  	_ =	shalt  }
0x48: {  	_ =	shalt  }
0x49: {  	_ =	shalt  }
0x4a: {  	_ =	shalt  }
0x4b: {  	_ =	shalt  }
0x4c: {  	_ =	shalt  }
0x4d: {  	_ =	shalt  }
0x4e: {  	_ =	shalt  }
0x4f: {  	_ =	shalt  }
0x50: {  	_ =	shalt  }
0x51: {  	_ =	shalt  }
0x52: {  	_ =	shalt  }
0x53: {  	_ =	shalt  }
0x54: {  	_ =	shalt  }
0x55: {  	_ =	shalt  }
0x56: {  	_ =	shalt  }
0x57: {  	_ =	shalt  }
0x58: {  	_ =	shalt  }
0x59: {  	_ =	shalt  }
0x5a: {  	_ =	shalt  }
0x5b: {  	_ =	shalt  }
0x5c: {  	_ =	shalt  }
0x5d: {  	_ =	shalt  }
0x5e: {  	_ =	shalt  }
0x5f: {  	_ =	shalt  }
0x60: {  	_ =	shalt  }
0x61: {  	_ =	shalt  }
0x62: {  	_ =	shalt  }
0x63: {  	_ =	shalt  }
0x64: {  	_ =	shalt  }
0x65: {  	_ =	shalt  }
0x66: {  	_ =	shalt  }
0x67: {  	_ =	shalt  }
0x68: {  	_ =	shalt  }
0x69: {  	_ =	shalt  }
0x6a: {  	_ =	shalt  }
0x6b: {  	_ =	shalt  }
0x6c: {  	_ =	shalt  }
0x6d: {  	_ =	shalt  }
0x6e: {  	_ =	shalt  }
0x6f: {  	_ =	shalt  }
0x70: {  	_ =	shalt  }
0x71: {  	_ =	shalt  }
0x72: {  	_ =	shalt  }
0x73: {  	_ =	shalt  }
0x74: {  	_ =	shalt  }
0x75: {  	_ =	shalt  }
0x76: {  	_ =	shalt  }
0x77: {  	_ =	shalt  }
0x78: {  	_ =	shalt  }
0x79: {  	_ =	shalt  }
0x7a: {  	_ =	shalt  }
0x7b: {  	_ =	shalt  }
0x7c: {  	_ =	shalt  }
0x7d: {  	_ =	shalt  }
0x7e: {  	_ =	shalt  }
0x7f: {  	_ =	shalt  }
0x80: {  	_ =	shalt  }
0x81: {  	_ =	shalt  }
0x82: {  	_ =	shalt  }
0x83: {  	_ =	shalt  }
0x84: {  	_ =	shalt  }
0x85: {  	_ =	shalt  }
0x86: {  	_ =	shalt  }
0x87: {  	_ =	shalt  }
.Lfunc_end0:
.L_simem_size_0:
called_computation_lowered:
.L_overlay_start_0:
0x88: {  	s2 =	sld [smem:$0x3FD9]  }
0x89: {  	s3 =	sld [smem:$0x3FFE];
	_ =	sdelay $0x1  }
0x8a: {  	s1 =	srdreg.scid  }
0x8b: {  	s0 =	sand.u32 $0x1, s1  }
0x8c: {  	s15 =	sshll.u32 s0, $0xA;
	s2 =	sadd.s32 s3, s2  }
0x8d: {  	s2 =	sadd.s32 s2, s15  }
0x8e: {  	[smem:$0x3FC5] =	sst s2  }
0x8f: {  	_ = 	snop  }
0x90: {  	s2 =	sld [smem:$0x3FD0]  }
0x91: {  	s16 =	sld [smem:$0x3FC9]  }
0x92: {  	s4 =	sld [smem:$0x3FC8]  }
0x93: {  	s6 =	simm.s32 $0xA;
	s7 =	simm.s32 $0x10;
	s5 =	sld [smem:$0x3FC7]  }
0x94: {  	[smem:s7], [sflag:s6] =	dma.local [hbm:s2], $0x1  }
0x95: {  	_ =	swait.eq [sflag:s6], $0x1  }
0x96: {  	[sflag:s6] =	ssyncset.done $0x0  }
0x97: {  	s17 =	sld [smem:$0x10];
	[sflag:s6] =	ssyncadd.s32 $0xFFFFFFFF  }
0x98: {  	s18 =	sld [smem:$0x11];
	(tm) =	ssettm $0x1  }
0x99: {  	s19 =	sld [smem:$0x3FFB];
	_ =	sdelay $0x3  }
0x9a: {  	_ =	strace s19  }
0x9b: {  	s7 =	sld [smem:$0x3FFC];
	_ =	sdelay $0x3  }
0x9c: {  	_ =	strace s7  }
0x9d: {  	s7 =	sld [smem:$0x3FFD];
	_ =	sdelay $0x3  }
0x9e: {  	_ =	strace s7  }
0x9f: {  	_ =	strace $0x8FFFFFFF  }
0xa0: {  	s20 =	sld [smem:$0x3FDB];
	_ =	sdelay $0x1  }
0xa1: {  	s8 =	simm.s32 $_scs_section_size  }
0xa2: {  	s9 =	simm.s32 $_size__tile_overlayer_lowered;
	s10 =	simm.s32 $_tile_overlayer_lowered  }
0xa3: {  	s23 =	simm.s32 $0x1BFF;
	s22 =	sshll.u32 s10, $0x1;
	s7 =	sadd.s32 s8, s20  }
0xa4: {  	s11 =	simm.s32 $0x0;
	s21 =	sshll.u32 s9, $0x1;
	s9 =	sadd.s32 s22, s7  }
0xa5: {  	[timem:s11], [sflag:s23] =	dma.local [hbm:s9], s21  }
0xa6: {  	_ =	swait.ge [sflag:s23], s21  }
0xa7: {  	s8 =	ssub.s32 $0x0, s21;
	[sflag:s23] =	ssyncset.done $0x0  }
0xa8: {  	[sflag:s23] =	ssyncadd.s32 s8;
	_ =	sdelay $0x1  }
0xa9: {  	s24 =	simm.s32 $0x1B8B  }
0xaa: {  	_ =	swait.ge [sflag:s24], $0x1  }
0xab: {  	[sflag:s24] =	ssyncset.done $0x0  }
0xac: {  	s25 =	simm.s32 $0x1B8E;
	[sflag:s24] =	ssyncadd.s32 $0xFFFFFFFF  }
0xad: {  	s26 =	simm.s32 $execute0_lowered;
	[smem:$0x3FD2] =	sst s25  }
0xae: {  	s8 =	sshll.u32 s26, $0x1;
	_ =	strace $0x80000046;
	[dreg:$0x1] =	wrdreg $0xFFFFFFFF  }
0xaf: {  	s28 =	simm.s32 $_size_execute0_lowered;
	s7 =	sadd.s32 s7, s8;
	[dreg:$0x0] =	wrdreg $0x0  }
0xb0: {  	s8 =	sshll.u32 s28, $0x1;
	[dreg:$0x2] =	wrdreg s7  }
0xb1: {  	[dreg:$0x3] =	wrdreg s8  }
0xb2: {  	[dreg:$0x4] =	wrdreg $0xC0  }
0xb3: {  	_ =	task [dreg:s11], $0x5FFFF  }
0xb4: {  	[dreg:$0x1] =	wrdreg $0xFFFFFFFF  }
0xb5: {  	[dreg:$0x0] =	wrdreg $0x60  }
0xb6: {  	[dreg:$0x2] =	wrdreg s16  }
0xb7: {  	[dreg:$0x3] =	wrdreg s4  }
0xb8: {  	[dreg:$0x4] =	wrdreg s5  }
0xb9: {  	[dreg:$0x5] =	wrdreg s17  }
0xba: {  	[dreg:$0x6] =	wrdreg s18  }
0xbb: {  	[dreg:$0x7] =	wrdreg $0x9  }
0xbc: {  	_ =	task.clear_ibuf [dreg:s11], $0x8FFFF;
	_ =	strace $0x90000046  }
0xbd: {  	s29 =	simm.s32 $0x9;
	_ =	strace $0x80000048  }
0xbe: {  	_ =	swait.ge [sflag:s29], $0x1  }
0xbf: {  	[sflag:s29] =	ssyncadd.s32 $0xFFFFFFFF  }
0xc0: {  	_ =	strace $0x90000048  }
0xc1: {  	_ =	sfence  }
0xc2: {  	s30 =	sld [smem:$0x0];
	_ =	sdelay $0x2  }
0xc3: {  	s31 =	sshll.u32 s1, $0xD;
	s1 =	sshrl.u32 s1, $0x2  }
0xc4: {  	s3 =	sand.u32 $0x4000, s31;
	s1 =	sadd.s32 s1, s30  }
0xc5: {  	s0 =	sor.u32 s3, s0;
	s1 =	sshll.u32 s1, $0x11  }
0xc6: {  	s0 =	sor.u32 s1, s0  }
0xc7: {  	s0 =	sadd.s32 $0x8F2B, s0  }
0xc8: {  	[sflag:s0] =	ssyncadd.remote.s32 $0x1  }
0xc9: {  	_ =	sfence.sel $0xFFFF  }
0xca: {  	[dreg:$0x0] =	wrdreg $0xFFFFFFFF;
	(pc) =	sbr.abs _section_cstart, $3  }
0xcb: {  	[dreg:$0x1] =	wrdreg $0xFFFFFFFF  }
0xcc: {  	_ =	task.clear_ibuf [dreg:s11], $0x2FFFF;
	_ =	strace $0x9FFFFFFF  }
0xcd: {  	(tm) =	ssettm $0x7FFFFFFF  }
tec
execute0_lowered:
.L_overlay_start_1:
0x0: {  	(tag) =	ssettag $0x1  }
0x1: {  	s4 =	rddreg [dreg:$0x0]  }
0x2: {  	s5 =	rddreg [dreg:$0x1]  }
0x3: {  	s2 =	rddreg [dreg:$0x2]  }
0x4: {  	s20 =	rddreg [dreg:$0x3];
	s0 =	srdreg.scid  }
0x5: {  	s31 =	rddreg [dreg:$0x4];
	s1 =	stileid.u32;
	s0 =	sand.u32 $0x1, s0  }
0x6: {  	s3 =	simm.s32 $0x0;
	s6 =	sshll.u32 s1, $0x7;
	s7 =	sshll.u32 s0, $0x6  }
0x7: {  	[smem:$0x7FF] =	sst s3;
	s17 =	sshll.u32 s1, $0xE;
	s6 =	sor.u32 s7, s6  }
0x8: {  	_ =	strace $0x80000047;
	s18 =	sshll.u32 s0, $0xD;
	s4 =	sadd.s32 s4, s6  }
0x9: {  	s23 =	sor.u32 s18, s17;
	s16 =	sadd.s32 s5, s6;
	[dreg:$0x6] =	wrdreg s4  }
0xa: {  	s19 =	sadd.s32 s20, s23;
	[dreg:$0x7] =	wrdreg s16  }
0xb: {  	[dreg:$0x8] =	wrdreg s19  }
0xc: {  	s26 =	sor.u32 $0x800, s23;
	s21 =	rddreg [dreg:$0x6]  }
0xd: {  	s22 =	sadd.s32 s20, s26;
	s24 =	rddreg [dreg:$0x7]  }
0xe: {  	[tilespmem:s3], [sflag:$0x9] =	stream.linear.gather [hbm4b:s21+s3], $0x200, $0x38;
	[tilespmem:$0x10400] =	vst v63  }
0xf: {  	s5 =	simm.s32 $0x9;
	s4 =	simm.s32 $0x200;
	[dreg:$0x9] =	wrdreg s22  }
0x10: {  	[tilespmem:s4], [sflag:$0xA] =	stream.linear.gather [hbm4b:s24+s3], $0x200, $0x38;
	[tilespmem:$0x10400] =	vst v63  }
0x11: {  	_ =	swait.ge [sflag:s5], $0x200  }
0x12: {  	[sflag:s5] =	ssyncset.done $0x0  }
0x13: {  	s7 =	simm.s32 $0x400;
	s6 =	simm.s32 $0x80;
	[sflag:s5] =	ssyncadd.s32 $0xFFFFFE00  }
0x14: {  	[tilespmem:s7], [sflag:$0x1] =	stream.indirect.gather [hbm4b:s2+s6], $0x80, s3, s6, $0xb8;
	[tilespmem:$0x10400] =	vst v63  }
0x15: {  	s8 =	simm.s32 $0x4400;
	s9 =	simm.s32 $0x1  }
0x16: {  	[tilespmem:s8], [sflag:$0x2] =	stream.indirect.gather [hbm4b:s2+s6], $0x80, s6, s6, $0xb8;
	[tilespmem:$0x10400] =	vst v63  }
0x17: {  	_ =	swait.ge [sflag:s9], $0x4000  }
0x18: {  	[sflag:s9] =	ssyncset.done $0x0  }
0x19: {  	s10 =	rddreg [dreg:$0x8];
	[sflag:s9] =	ssyncadd.s32 $0xFFFFC000  }
0x1a: {  	[hbm4b:s10+s3] =	stream.linear.scatter [tilespmem:s7], [sflag:$0x5], $0x4000, $0x38;
	[tilespmem:$0x10400] =	vst v63  }
0x1b: {  	s25 =	simm.s32 $0x100;
	s11 =	simm.s32 $0x8400;
	s12 =	simm.s32 $0x2  }
0x1c: {  	[tilespmem:s11], [sflag:$0x3] =	stream.indirect.gather [hbm4b:s2+s6], $0x80, s25, s6, $0xb8;
	[tilespmem:$0x10400] =	vst v63  }
0x1d: {  	_ =	swait.ge [sflag:s12], $0x4000  }
0x1e: {  	[sflag:s12] =	ssyncset.done $0x0  }
0x1f: {  	s13 =	rddreg [dreg:$0x9];
	[sflag:s12] =	ssyncadd.s32 $0xFFFFC000  }
0x20: {  	[hbm4b:s13+s3] =	stream.linear.scatter [tilespmem:s8], [sflag:$0x6], $0x4000, $0x38;
	[tilespmem:$0x10400] =	vst v63  }
0x21: {  	s14 =	simm.s32 $0xC400;
	s15 =	simm.s32 $0x3;
	s13 =	simm.s32 $0x180  }
0x22: {  	[tilespmem:s14], [sflag:$0x4] =	stream.indirect.gather [hbm4b:s2+s6], $0x80, s13, s6, $0xb8;
	[tilespmem:$0x10400] =	vst v63  }
0x23: {  	_ =	swait.ge [sflag:s15], $0x4000  }
0x24: {  	s30 =	sor.u32 $0x1000, s23;
	[sflag:s15] =	ssyncset.done $0x0  }
0x25: {  	s17 =	simm.s32 $0xA;
	s16 =	sadd.s32 s20, s30;
	[sflag:s15] =	ssyncadd.s32 $0xFFFFC000  }
0x26: {  	[hbm4b:s16+s3] =	stream.linear.scatter [tilespmem:s11], [sflag:$0x7], $0x4000, $0x38;
	[tilespmem:$0x10400] =	vst v63  }
0x27: {  	_ =	swait.ge [sflag:s17], $0x200  }
0x28: {  	[sflag:s17] =	ssyncset.done $0x0  }
0x29: {  	s18 =	simm.s32 $0x5;
	[sflag:s17] =	ssyncadd.s32 $0xFFFFFE00  }
0x2a: {  	_ =	swait.ge [sflag:s18], $0x4000  }
0x2b: {  	[sflag:s18] =	ssyncset.done $0x0  }
0x2c: {  	s19 =	simm.s32 $0x4;
	[sflag:s18] =	ssyncadd.s32 $0xFFFFC000  }
0x2d: {  	[tilespmem:s7], [sflag:$0x1] =	stream.indirect.gather [hbm4b:s2+s6], $0x80, s4, s6, $0xb8;
	[tilespmem:$0x10400] =	vst v63  }
0x2e: {  	_ =	swait.ge [sflag:s19], $0x4000  }
0x2f: {  	s10 =	sor.u32 $0x1800, s23;
	[sflag:s19] =	ssyncset.done $0x0  }
0x30: {  	s21 =	simm.s32 $0x6;
	s20 =	sadd.s32 s20, s10;
	[sflag:s19] =	ssyncadd.s32 $0xFFFFC000  }
0x31: {  	[hbm4b:s20+s3] =	stream.linear.scatter [tilespmem:s14], [sflag:$0x8], $0x4000, $0x38;
	[tilespmem:$0x10400] =	vst v63  }
0x32: {  	_ =	swait.ge [sflag:s21], $0x4000  }
0x33: {  	[sflag:s21] =	ssyncset.done $0x0  }
0x34: {  	s22 =	simm.s32 $0x280;
	[sflag:s21] =	ssyncadd.s32 $0xFFFFC000  }
0x35: {  	[tilespmem:s8], [sflag:$0x2] =	stream.indirect.gather [hbm4b:s2+s6], $0x80, s22, s6, $0xb8;
	[tilespmem:$0x10400] =	vst v63  }
0x36: {  	_ =	swait.ge [sflag:s9], $0x4000  }
0x37: {  	[sflag:s9] =	ssyncset.done $0x0  }
0x38: {  	s24 =	simm.s32 $0x7;
	s23 =	sadd.s32 s31, s23;
	[sflag:s9] =	ssyncadd.s32 $0xFFFFC000  }
0x39: {  	[hbm4b:s23+s3] =	stream.linear.scatter [tilespmem:s7], [sflag:$0x5], $0x4000, $0x38;
	[tilespmem:$0x10400] =	vst v63  }
0x3a: {  	_ =	swait.ge [sflag:s24], $0x4000  }
0x3b: {  	[sflag:s24] =	ssyncset.done $0x0  }
0x3c: {  	s25 =	simm.s32 $0x300;
	[sflag:s24] =	ssyncadd.s32 $0xFFFFC000  }
0x3d: {  	[tilespmem:s11], [sflag:$0x3] =	stream.indirect.gather [hbm4b:s2+s6], $0x80, s25, s6, $0xb8;
	[tilespmem:$0x10400] =	vst v63  }
0x3e: {  	_ =	swait.ge [sflag:s12], $0x4000  }
0x3f: {  	[sflag:s12] =	ssyncset.done $0x0  }
0x40: {  	s28 =	simm.s32 $0x8;
	s26 =	sadd.s32 s31, s26;
	[sflag:s12] =	ssyncadd.s32 $0xFFFFC000  }
0x41: {  	[hbm4b:s26+s3] =	stream.linear.scatter [tilespmem:s8], [sflag:$0x6], $0x4000, $0x38;
	[tilespmem:$0x10400] =	vst v63  }
0x42: {  	_ =	swait.ge [sflag:s28], $0x4000  }
0x43: {  	[sflag:s28] =	ssyncset.done $0x0  }
0x44: {  	s29 =	simm.s32 $0x380;
	[sflag:s28] =	ssyncadd.s32 $0xFFFFC000  }
0x45: {  	[tilespmem:s14], [sflag:$0x4] =	stream.indirect.gather [hbm4b:s2+s6], $0x80, s29, s6, $0xb8;
	[tilespmem:$0x10400] =	vst v63  }
0x46: {  	_ =	swait.ge [sflag:s15], $0x4000  }
0x47: {  	[sflag:s15] =	ssyncset.done $0x0  }
0x48: {  	s30 =	sadd.s32 s31, s30;
	[sflag:s15] =	ssyncadd.s32 $0xFFFFC000  }
0x49: {  	[hbm4b:s30+s3] =	stream.linear.scatter [tilespmem:s11], [sflag:$0x7], $0x4000, $0x38;
	[tilespmem:$0x10400] =	vst v63  }
0x4a: {  	_ =	swait.ge [sflag:s19], $0x4000  }
0x4b: {  	[sflag:s19] =	ssyncset.done $0x0  }
0x4c: {  	s31 =	sadd.s32 s31, s10;
	[sflag:s19] =	ssyncadd.s32 $0xFFFFC000  }
0x4d: {  	[hbm4b:s31+s3] =	stream.linear.scatter [tilespmem:s14], [sflag:$0x8], $0x4000, $0x38;
	[tilespmem:$0x10400] =	vst v63  }
0x4e: {  	s0 =	ssub.s32 $0x2, s0;
	_ =	swait.ge [sflag:s18], $0x4000  }
0x4f: {  	s10 =	sshrl.u32 s0, $0x1;
	[sflag:s18] =	ssyncset.done $0x0  }
0x50: {  	s0 =	ssub.s32 s0, s10;
	[sflag:s18] =	ssyncadd.s32 $0xFFFFC000  }
0x51: {  	s0 =	smax.u32 s0, $0x1;
	_ =	swait.ge [sflag:s21], $0x4000  }
0x52: {  	p0 =	sne.s32 s0, $0x1;
	[sflag:s21] =	ssyncset.done $0x0  }
.Ltmp0:
0x53: {  	[sflag:s21] =	ssyncadd.s32 $0xFFFFC000;
	(pc) =	sbr.rel @!p0 .LBB2_2-.Ltmp0, $4  }
0x54: {  	_ =	swait.ge [sflag:s24], $0x4000  }
0x55: {  	[sflag:s24] =	ssyncset.done $0x0  }
0x56: {  	[sflag:s24] =	ssyncadd.s32 $0xFFFFC000  }
0x57: {  	s0 =	sadd.s32 $0xFFFFFFFF, s0;
	_ =	swait.ge [sflag:s28], $0x4000  }
.LBB2_1:
0x58: {  	[sflag:s28] =	ssyncset.done $0x0  }
0x59: {  	s1 =	rddreg [dreg:$0x6];
	[sflag:s28] =	ssyncadd.s32 $0xFFFFC000  }
0x5a: {  	[tilespmem:s3], [sflag:$0x9] =	stream.linear.gather [hbm4b:s1+s3], $0x200, $0x38;
	[tilespmem:$0x10400] =	vst v63  }
0x5b: {  	s10 =	rddreg [dreg:$0x7]  }
0x5c: {  	[tilespmem:s4], [sflag:$0xA] =	stream.linear.gather [hbm4b:s10+s3], $0x200, $0x38;
	[tilespmem:$0x10400] =	vst v63  }
0x5d: {  	_ =	swait.ge [sflag:s5], $0x200  }
0x5e: {  	[sflag:s5] =	ssyncset.done $0x0  }
0x5f: {  	[sflag:s5] =	ssyncadd.s32 $0xFFFFFE00  }
0x60: {  	[tilespmem:s7], [sflag:$0x1] =	stream.indirect.gather [hbm4b:s2+s6], $0x80, s3, s6, $0xb8;
	[tilespmem:$0x10400] =	vst v63  }
0x61: {  	_ = 	snop  }
0x62: {  	[tilespmem:s8], [sflag:$0x2] =	stream.indirect.gather [hbm4b:s2+s6], $0x80, s6, s6, $0xb8;
	[tilespmem:$0x10400] =	vst v63  }
0x63: {  	_ =	swait.ge [sflag:s9], $0x4000  }
0x64: {  	[sflag:s9] =	ssyncset.done $0x0  }
0x65: {  	s10 =	rddreg [dreg:$0x8];
	[sflag:s9] =	ssyncadd.s32 $0xFFFFC000  }
0x66: {  	[hbm4b:s10+s3] =	stream.linear.scatter [tilespmem:s7], [sflag:$0x5], $0x4000, $0x38;
	[tilespmem:$0x10400] =	vst v63  }
0x67: {  	s10 =	simm.s32 $0x100  }
0x68: {  	[tilespmem:s11], [sflag:$0x3] =	stream.indirect.gather [hbm4b:s2+s6], $0x80, s10, s6, $0xb8;
	[tilespmem:$0x10400] =	vst v63  }
0x69: {  	_ =	swait.ge [sflag:s12], $0x4000  }
0x6a: {  	[sflag:s12] =	ssyncset.done $0x0  }
0x6b: {  	s10 =	rddreg [dreg:$0x9];
	[sflag:s12] =	ssyncadd.s32 $0xFFFFC000  }
0x6c: {  	[hbm4b:s10+s3] =	stream.linear.scatter [tilespmem:s8], [sflag:$0x6], $0x4000, $0x38;
	[tilespmem:$0x10400] =	vst v63  }
0x6d: {  	_ = 	snop  }
0x6e: {  	[tilespmem:s14], [sflag:$0x4] =	stream.indirect.gather [hbm4b:s2+s6], $0x80, s13, s6, $0xb8;
	[tilespmem:$0x10400] =	vst v63  }
0x6f: {  	_ =	swait.ge [sflag:s15], $0x4000  }
0x70: {  	[sflag:s15] =	ssyncset.done $0x0  }
0x71: {  	[sflag:s15] =	ssyncadd.s32 $0xFFFFC000  }
0x72: {  	[hbm4b:s16+s3] =	stream.linear.scatter [tilespmem:s11], [sflag:$0x7], $0x4000, $0x38;
	[tilespmem:$0x10400] =	vst v63  }
0x73: {  	_ =	swait.ge [sflag:s17], $0x200  }
0x74: {  	[sflag:s17] =	ssyncset.done $0x0  }
0x75: {  	[sflag:s17] =	ssyncadd.s32 $0xFFFFFE00  }
0x76: {  	_ =	swait.ge [sflag:s18], $0x4000  }
0x77: {  	[sflag:s18] =	ssyncset.done $0x0  }
0x78: {  	[sflag:s18] =	ssyncadd.s32 $0xFFFFC000  }
0x79: {  	[tilespmem:s7], [sflag:$0x1] =	stream.indirect.gather [hbm4b:s2+s6], $0x80, s4, s6, $0xb8;
	[tilespmem:$0x10400] =	vst v63  }
0x7a: {  	_ =	swait.ge [sflag:s19], $0x4000  }
0x7b: {  	[sflag:s19] =	ssyncset.done $0x0  }
0x7c: {  	[sflag:s19] =	ssyncadd.s32 $0xFFFFC000  }
0x7d: {  	[hbm4b:s20+s3] =	stream.linear.scatter [tilespmem:s14], [sflag:$0x8], $0x4000, $0x38;
	[tilespmem:$0x10400] =	vst v63  }
0x7e: {  	_ =	swait.ge [sflag:s21], $0x4000  }
0x7f: {  	[sflag:s21] =	ssyncset.done $0x0  }
0x80: {  	[sflag:s21] =	ssyncadd.s32 $0xFFFFC000  }
0x81: {  	[tilespmem:s8], [sflag:$0x2] =	stream.indirect.gather [hbm4b:s2+s6], $0x80, s22, s6, $0xb8;
	[tilespmem:$0x10400] =	vst v63  }
0x82: {  	_ =	swait.ge [sflag:s9], $0x4000  }
0x83: {  	[sflag:s9] =	ssyncset.done $0x0  }
0x84: {  	[sflag:s9] =	ssyncadd.s32 $0xFFFFC000  }
0x85: {  	[hbm4b:s23+s3] =	stream.linear.scatter [tilespmem:s7], [sflag:$0x5], $0x4000, $0x38;
	[tilespmem:$0x10400] =	vst v63  }
0x86: {  	_ =	swait.ge [sflag:s24], $0x4000  }
0x87: {  	[sflag:s24] =	ssyncset.done $0x0  }
0x88: {  	[sflag:s24] =	ssyncadd.s32 $0xFFFFC000  }
0x89: {  	[tilespmem:s11], [sflag:$0x3] =	stream.indirect.gather [hbm4b:s2+s6], $0x80, s25, s6, $0xb8;
	[tilespmem:$0x10400] =	vst v63  }
0x8a: {  	_ =	swait.ge [sflag:s12], $0x4000  }
0x8b: {  	[sflag:s12] =	ssyncset.done $0x0  }
0x8c: {  	[sflag:s12] =	ssyncadd.s32 $0xFFFFC000  }
0x8d: {  	[hbm4b:s26+s3] =	stream.linear.scatter [tilespmem:s8], [sflag:$0x6], $0x4000, $0x38;
	[tilespmem:$0x10400] =	vst v63  }
0x8e: {  	_ =	swait.ge [sflag:s28], $0x4000  }
0x8f: {  	[sflag:s28] =	ssyncset.done $0x0  }
0x90: {  	[sflag:s28] =	ssyncadd.s32 $0xFFFFC000  }
0x91: {  	[tilespmem:s14], [sflag:$0x4] =	stream.indirect.gather [hbm4b:s2+s6], $0x80, s29, s6, $0xb8;
	[tilespmem:$0x10400] =	vst v63  }
0x92: {  	_ =	swait.ge [sflag:s15], $0x4000  }
0x93: {  	[sflag:s15] =	ssyncset.done $0x0  }
0x94: {  	[sflag:s15] =	ssyncadd.s32 $0xFFFFC000  }
0x95: {  	[hbm4b:s30+s3] =	stream.linear.scatter [tilespmem:s11], [sflag:$0x7], $0x4000, $0x38;
	[tilespmem:$0x10400] =	vst v63  }
0x96: {  	_ =	swait.ge [sflag:s19], $0x4000  }
0x97: {  	[sflag:s19] =	ssyncset.done $0x0  }
0x98: {  	[sflag:s19] =	ssyncadd.s32 $0xFFFFC000  }
0x99: {  	[hbm4b:s31+s3] =	stream.linear.scatter [tilespmem:s14], [sflag:$0x8], $0x4000, $0x38;
	[tilespmem:$0x10400] =	vst v63  }
0x9a: {  	_ =	swait.ge [sflag:s18], $0x4000  }
0x9b: {  	[sflag:s18] =	ssyncset.done $0x0  }
0x9c: {  	[sflag:s18] =	ssyncadd.s32 $0xFFFFC000  }
0x9d: {  	_ =	swait.ge [sflag:s21], $0x4000  }
0x9e: {  	p0 =	sne.s32 s0, $0x1;
	[sflag:s21] =	ssyncset.done $0x0  }
.Ltmp1:
0x9f: {  	[sflag:s21] =	ssyncadd.s32 $0xFFFFC000;
	(pc) =	sbr.rel @p0 .LBB2_1-.Ltmp1, $4  }
0xa0: {  	_ =	swait.ge [sflag:s24], $0x4000  }
0xa1: {  	[sflag:s24] =	ssyncset.done $0x0  }
0xa2: {  	[sflag:s24] =	ssyncadd.s32 $0xFFFFC000  }
0xa3: {  	s0 =	sadd.s32 $0xFFFFFFFF, s0;
	_ =	swait.ge [sflag:s28], $0x4000  }
.LBB2_2:
0xa4: {  	[sflag:s28] =	ssyncset.done $0x0  }
0xa5: {  	[sflag:s28] =	ssyncadd.s32 $0xFFFFC000  }
0xa6: {  	_ =	sfence.sel $0x180000  }
0xa7: {  	[bflag:$0x0] =	sbarrier.arrive $0xFFFF  }
0xa8: {  	_ =	strace $0x90000047  }
0xa9: {  	s0 =	stileid.u32;
	[bflag:$0x2] =	sbarrier.arrive $0xFFFF  }
0xaa: {  	p0 =	sne.s32 s0, $0x0;
	s0 =	rddreg [dreg:$0x5]  }
0xab: {  	s0 =	sadd.s32 @!p0 $0x100000, s0  }
0xac: {  	[sflag:s0] =	ssyncadd.tile.s32 @!p0 $0x1;
	_ =	shalt  }
.Lfunc_end2:
_tile_overlayer_lowered:
.L_overlay_start_2:
0xad: {  	(tag) =	ssettag $0x2  }
0xae: {  	s0 =	rddreg [dreg:$0x0];
	s2 =	stileid.u32  }
0xaf: {  	s1 =	rddreg [dreg:$0x1];
	p0 =	sne.s32 s2, $0x0  }
0xb0: {  	s3 =	rddreg [dreg:$0x2];
	[bflag:$0x3] =	sbarrier.arrive $0xFFFF;
	s2 =	simm.s32 @!p0 $0x1C0B  }
0xb1: {  	[timem:s3], [sflag:s2] =	dma.local @!p0 [hbm:s0], s1  }
0xb2: {  	s0 =	simm.s32 @!p0 $0xB  }
0xb3: {  	_ =	swait.ge @!p0 [sflag:s0], s1  }
0xb4: {  	s1 =	ssub.s32 @!p0 $0x0, s1;
	[sflag:s0] =	ssyncset.done @!p0 $0x0  }
0xb5: {  	[sflag:s0] =	ssyncadd.s32 @!p0 s1  }
0xb6: {  	[bflag:$0x3] =	sbarrier.arrive $0xFFFF  }
0xb7: {  	_ =	shalt  }

</sc_bundles>
